<compile_context>
chip_gen: v7x
topology: tpu7x:2x2x1
jax: 0.10.2.dev20260603
libtpu: 0.0.44.dev20260713+nightly
codegen_flags: <defaults>
</compile_context>

<pallas_src>
import functools
import jax
import jax.numpy as jnp
from jax import lax
from jax.experimental import pallas as pl
from jax.experimental.pallas import tpu as pltpu
from jax.experimental.pallas import tpu_sc as plsc

_TW = 15
_B = 16
_CH = 3
_H = 224
_W = 224
_N = _B * _CH * _H * _W
_NW = 32
_PW = _N // _NW

_mesh = plsc.VectorSubcoreMesh(core_axis_name="c", subcore_axis_name="s")


@functools.partial(
    pl.kernel,
    mesh=_mesh,
    compiler_params=pltpu.CompilerParams(needs_layout_passes=False),
    out_type=(
        jax.ShapeDtypeStruct((_NW * 16,), jnp.float32),
        jax.ShapeDtypeStruct((_NW * 16,), jnp.float32),
    ),
    scratch_types=[
        pltpu.VMEM((_PW,), jnp.float32),
        pltpu.VMEM((16,), jnp.float32),
        pltpu.VMEM((16,), jnp.float32),
    ],
)
def _sc_reduce(img_hbm, mins_hbm, maxs_hbm, buf, mnv, mxv):
    wid = lax.axis_index("s") * 2 + lax.axis_index("c")
    pltpu.sync_copy(img_hbm.at[pl.ds(wid * _PW, _PW)], buf)
    inf = jnp.float32(jnp.inf)

    def body(i, carry):
        mn, mx = carry
        v = buf[pl.ds(i * 16, 16)]
        vm = jnp.where(v < 0.0, inf, v)
        return jnp.minimum(mn, vm), jnp.maximum(mx, v)

    mn0 = jnp.full((16,), inf, jnp.float32)
    mx0 = jnp.full((16,), -inf, jnp.float32)
    mn, mx = lax.fori_loop(0, _PW // 16, body, (mn0, mx0))
    mnv[...] = mn
    mxv[...] = mx
    pltpu.sync_copy(mnv, mins_hbm.at[pl.ds(wid * 16, 16)])
    pltpu.sync_copy(mxv, maxs_hbm.at[pl.ds(wid * 16, 16)])


def _pack_body(mn_ref, mx_ref, x_ref, o_ref):
    mmin = jnp.min(mn_ref[...])
    gmax = jnp.max(mx_ref[...])
    nab = mmin < jnp.inf
    img_min = jnp.where(nab, mmin, 0.0)
    mf = jnp.where(nab, 1.0 / (1.0 - img_min), 1.0)
    imax = gmax - img_min
    mf = jnp.where(imax != 0.0, 1.0 / imax, mf)

    x = x_ref[...]
    y = ((x - img_min) * mf) * jnp.float32(_TW - 1)
    idx = jnp.ceil(y).astype(jnp.int32) + 1
    idx = jnp.where(x < 0.0, 0, idx)
    ok = (idx >= 1) & (idx <= _TW)
    sh = jnp.where(ok, _TW - idx, 0)
    word = jnp.where(ok, jnp.left_shift(jnp.int32(1), sh), 0)
    o_ref[...] = word.astype(jnp.uint16)


def kernel(img):
    mins, maxs = _sc_reduce(img.reshape(_N))
    words = pl.pallas_call(
        _pack_body,
        grid=(_B,),
        in_specs=[
            pl.BlockSpec((_NW * 16,), lambda i: (0,)),
            pl.BlockSpec((_NW * 16,), lambda i: (0,)),
            pl.BlockSpec((1, _CH, _H, _W), lambda i: (i, 0, 0, 0)),
        ],
        out_specs=pl.BlockSpec((1, _CH, _H, _W), lambda i: (i, 0, 0, 0)),
        out_shape=jax.ShapeDtypeStruct((_B, _CH, _H, _W), jnp.uint16),
    )(mins, maxs, img)
    masks = (jnp.uint16(1) << jnp.arange(_TW, dtype=jnp.uint16)).reshape(
        _TW, 1, 1, 1, 1
    )
    return (words[None] & masks) != 0

# --- scband reference (transcript-rebuilt; emitter-appended) ---
"""Pipeline reference for scband-intensity2-latency-28698971472027 (READ-ONLY COPY).

The authoritative reference and input builder live on the scoring server;
editing this copy changes nothing except your own understanding.
"""

import jax, jax.numpy as jnp
import numpy as np

TIME_WINDOW = 15
THRESHOLD = 0.0
MIN_VAL = 0.0
MAX_VAL = 1.0


def setup_inputs(seed: int = 0) -> dict:
    key = jax.random.key(seed)
    img = jax.random.uniform(key, (16, 3, 224, 224), dtype=jnp.float32)
    return {"img": img}


def reference(img):
    # threshold = min_val since sparsity is None
    threshold = THRESHOLD
    below = img < threshold
    img = img - MIN_VAL
    max_value = MAX_VAL - MIN_VAL
    max_factor = jnp.asarray(1.0 / max_value, dtype=jnp.float32)

    # lower_trim: if not below.all(): subtract min of non-below elements
    not_all_below = jnp.logical_not(jnp.all(below))
    masked = jnp.where(below, jnp.inf, img)
    img_min_raw = jnp.min(masked)
    img_min = jnp.where(not_all_below, img_min_raw, 0.0)
    img = jnp.where(not_all_below, img - img_min, img)
    max_factor = jnp.where(not_all_below, 1.0 / (max_value - img_min), max_factor)

    # higher_trim: if img.max() != 0: max_factor = 1/img.max()
    img_max = jnp.max(img)
    max_factor = jnp.where(img_max != 0, 1.0 / img_max, max_factor)

    index = jnp.ceil(img * max_factor * (TIME_WINDOW - 1)).astype(jnp.int32)
    index = index + 1
    index = jnp.where(below, 0, index)
    index = jnp.maximum(index, 0)  # clamp(0)

    # scatter_ along dim 0: spikes[index[e], e] = True
    flat_idx = index.reshape(-1)
    positions = jnp.arange(flat_idx.shape[0])
    spikes = jnp.zeros((TIME_WINDOW + 1, flat_idx.shape[0]), dtype=jnp.bool_)
    spikes = spikes.at[flat_idx, positions].set(True)
    spikes = spikes.reshape((TIME_WINDOW + 1,) + img.shape)
    spikes = spikes[1:]
    return jnp.flip(spikes, axis=0)

if __name__ == "__main__":
    import jax
    _d = setup_inputs()
    print(jax.jit(kernel)(*tuple(_d.values())))

</pallas_src>

<mosaic_0001>
#map = affine_map<(d0, d1) -> (0)>
module attributes {stable_mosaic.version = 14 : i64} {
  func.func @_sc_reduce(%arg0: i32, %arg1: i32, %arg2: memref<2408448xf32, #tpu.memory_space<hbm>>, %arg3: memref<512xf32, #tpu.memory_space<hbm>>, %arg4: memref<512xf32, #tpu.memory_space<hbm>>, %arg5: memref<75264xf32, #tpu.memory_space<vmem>>, %arg6: memref<16xf32, #tpu.memory_space<vmem>>, %arg7: memref<16xf32, #tpu.memory_space<vmem>>) attributes {dimension_semantics = [#tpu.dimension_semantics<core_parallel>, #tpu.dimension_semantics<subcore_parallel>], iteration_bounds = array<i64: 2, 16>, scalar_prefetch = 0 : i64, scratch_operands = 3 : i64, tpu.core_type = #tpu.core_type<sc_vector_subcore>, window_params = [{transform_indices = #map}, {transform_indices = #map}, {transform_indices = #map}]} {
    %mul3A = arith.constant 2 : i32
    %mul3A_0 = arith.muli %arg1, %mul3A : i32
    %add3A = arith.addi %mul3A_0, %arg0 : i32
    %mul3A_1 = arith.constant 75264 : i32
    %mul3A_2 = arith.muli %add3A, %mul3A_1 : i32
    "tpu.region"() ({
      %run_scoped3A = tpu.sem_alloc : memref<!tpu.dma_semaphore, #tpu.memory_space<semaphore_mem>>
      %dma_start3A = tpu.memref_slice %arg2[%mul3A_2] : memref<2408448xf32, #tpu.memory_space<hbm>> -> memref<75264xf32, #tpu.memory_space<hbm>>
      %dma_start3A_20 = tpu.memref_slice %arg2[%mul3A_2] : memref<2408448xf32, #tpu.memory_space<hbm>> -> memref<75264xf32, #tpu.memory_space<hbm>>
      tpu.enqueue_dma source(%dma_start3A_20 : memref<75264xf32, #tpu.memory_space<hbm>>) target(%arg5 : memref<75264xf32, #tpu.memory_space<vmem>>) target_semaphore(%run_scoped3A : memref<!tpu.dma_semaphore, #tpu.memory_space<semaphore_mem>>)
      %dma_wait3A = tpu.memref_slice %arg2[%mul3A_2] : memref<2408448xf32, #tpu.memory_space<hbm>> -> memref<75264xf32, #tpu.memory_space<hbm>>
      %dma_wait3A_21 = tpu.memref_slice %arg2[%mul3A_2] : memref<2408448xf32, #tpu.memory_space<hbm>> -> memref<75264xf32, #tpu.memory_space<hbm>>
      tpu.wait_dma2 semaphore(%run_scoped3A : memref<!tpu.dma_semaphore, #tpu.memory_space<semaphore_mem>>) src(%dma_wait3A_21 : memref<75264xf32, #tpu.memory_space<hbm>>) dst(%arg5 : memref<75264xf32, #tpu.memory_space<vmem>>)
      tpu.yield
    }) : () -> ()
    %broadcast_in_dim3A = arith.constant 0x7F800000 : f32
    %broadcast_in_dim3A_3 = vector.broadcast %broadcast_in_dim3A : f32 to vector<16xf32>
    %neg3A = arith.constant 0.000000e+00 : f32
    %neg3A_4 = arith.constant 0x7F800000 : f32
    %neg3A_5 = arith.subf %neg3A, %neg3A_4 : f32
    %broadcast_in_dim3A_6 = vector.broadcast %neg3A_5 : f32 to vector<16xf32>
    %scan3A = arith.constant 0x7F800000 : f32
    %scan3A_7 = arith.constant 0 : i32
    %scan3A_8 = arith.constant 4704 : i32
    %scan3A_9 = arith.addi %scan3A_7, %scan3A_8 : i32
    %scan3A_10 = arith.constant 1 : i32
    %scan3A_11:2 = scf.for %scan3A_20 = %scan3A_7 to %scan3A_9 step %scan3A_10 iter_args(%scan3A_21 = %broadcast_in_dim3A_3, %scan3A_22 = %broadcast_in_dim3A_6) -> (vector<16xf32>, vector<16xf32>)  : i32 {
      %mul3A_23 = arith.constant 16 : i32
      %mul3A_24 = arith.muli %scan3A_20, %mul3A_23 : i32
      %get3A = arith.index_cast %mul3A_24 : i32 to index
      %get3A_25 = tpu.vector_load %arg5[%get3A] {strides = array<i32>} : memref<75264xf32, #tpu.memory_space<vmem>>, vector<16xf32>,
      %lt3A = arith.constant 0.000000e+00 : f32
      %lt3A_26 = vector.broadcast %lt3A : f32 to vector<16xf32>
      %lt3A_27 = arith.cmpf olt, %get3A_25, %lt3A_26 : vector<16xf32>
      %broadcast_in_dim3A_28 = vector.broadcast %scan3A : f32 to vector<16xf32>
      %select_n3A = arith.select %lt3A_27, %broadcast_in_dim3A_28, %get3A_25 : vector<16xi1>, vector<16xf32>
      %min3A = arith.minimumf %scan3A_21, %select_n3A : vector<16xf32>
      %max3A = arith.maximumf %scan3A_22, %get3A_25 : vector<16xf32>
      scf.yield %min3A, %max3A : vector<16xf32>, vector<16xf32>
    }
    %scan3A_12 = arith.constant 4704 : i32
    %swap3A = arith.constant 0 : index
    %swap3A_13 = tpu.vector_load %arg6[%swap3A] {strides = array<i32>} : memref<16xf32, #tpu.memory_space<vmem>>, vector<16xf32>,
    tpu.vector_store %arg6[%swap3A], %scan3A_11#0 {strides = array<i32>} : memref<16xf32, #tpu.memory_space<vmem>>, vector<16xf32>,
    %swap3A_14 = arith.constant 0 : index
    %swap3A_15 = tpu.vector_load %arg7[%swap3A_14] {strides = array<i32>} : memref<16xf32, #tpu.memory_space<vmem>>, vector<16xf32>,
    tpu.vector_store %arg7[%swap3A_14], %scan3A_11#1 {strides = array<i32>} : memref<16xf32, #tpu.memory_space<vmem>>, vector<16xf32>,
    %mul3A_16 = arith.constant 16 : i32
    %mul3A_17 = arith.muli %add3A, %mul3A_16 : i32
    "tpu.region"() ({
      %run_scoped3A = tpu.sem_alloc : memref<!tpu.dma_semaphore, #tpu.memory_space<semaphore_mem>>
      %dma_start3A = tpu.memref_slice %arg3[%mul3A_17] : memref<512xf32, #tpu.memory_space<hbm>> -> memref<16xf32, #tpu.memory_space<hbm>>
      %dma_start3A_20 = tpu.memref_slice %arg3[%mul3A_17] : memref<512xf32, #tpu.memory_space<hbm>> -> memref<16xf32, #tpu.memory_space<hbm>>
      tpu.enqueue_dma source(%arg6 : memref<16xf32, #tpu.memory_space<vmem>>) target(%dma_start3A_20 : memref<16xf32, #tpu.memory_space<hbm>>) target_semaphore(%run_scoped3A : memref<!tpu.dma_semaphore, #tpu.memory_space<semaphore_mem>>)
      %dma_wait3A = tpu.memref_slice %arg3[%mul3A_17] : memref<512xf32, #tpu.memory_space<hbm>> -> memref<16xf32, #tpu.memory_space<hbm>>
      %dma_wait3A_21 = tpu.memref_slice %arg3[%mul3A_17] : memref<512xf32, #tpu.memory_space<hbm>> -> memref<16xf32, #tpu.memory_space<hbm>>
      tpu.wait_dma2 semaphore(%run_scoped3A : memref<!tpu.dma_semaphore, #tpu.memory_space<semaphore_mem>>) src(%arg6 : memref<16xf32, #tpu.memory_space<vmem>>) dst(%dma_wait3A_21 : memref<16xf32, #tpu.memory_space<hbm>>)
      tpu.yield
    }) : () -> ()
    %mul3A_18 = arith.constant 16 : i32
    %mul3A_19 = arith.muli %add3A, %mul3A_18 : i32
    "tpu.region"() ({
      %run_scoped3A = tpu.sem_alloc : memref<!tpu.dma_semaphore, #tpu.memory_space<semaphore_mem>>
      %dma_start3A = tpu.memref_slice %arg4[%mul3A_19] : memref<512xf32, #tpu.memory_space<hbm>> -> memref<16xf32, #tpu.memory_space<hbm>>
      %dma_start3A_20 = tpu.memref_slice %arg4[%mul3A_19] : memref<512xf32, #tpu.memory_space<hbm>> -> memref<16xf32, #tpu.memory_space<hbm>>
      tpu.enqueue_dma source(%arg7 : memref<16xf32, #tpu.memory_space<vmem>>) target(%dma_start3A_20 : memref<16xf32, #tpu.memory_space<hbm>>) target_semaphore(%run_scoped3A : memref<!tpu.dma_semaphore, #tpu.memory_space<semaphore_mem>>)
      %dma_wait3A = tpu.memref_slice %arg4[%mul3A_19] : memref<512xf32, #tpu.memory_space<hbm>> -> memref<16xf32, #tpu.memory_space<hbm>>
      %dma_wait3A_21 = tpu.memref_slice %arg4[%mul3A_19] : memref<512xf32, #tpu.memory_space<hbm>> -> memref<16xf32, #tpu.memory_space<hbm>>
      tpu.wait_dma2 semaphore(%run_scoped3A : memref<!tpu.dma_semaphore, #tpu.memory_space<semaphore_mem>>) src(%arg7 : memref<16xf32, #tpu.memory_space<vmem>>) dst(%dma_wait3A_21 : memref<16xf32, #tpu.memory_space<hbm>>)
      tpu.yield
    }) : () -> ()
    return
  }
}

module attributes {stable_mosaic.version = 14 : i64} {
  func.func @_pack_body(%arg0: i32, %arg1: memref<512xf32, #tpu.memory_space<vmem>>, %arg2: memref<512xf32, #tpu.memory_space<vmem>>, %arg3: memref<1x3x224x224xf32, #tpu.memory_space<vmem>>, %arg4: memref<1x3x224x224xi16, #tpu.memory_space<vmem>>) attributes {dimension_semantics = [#tpu.dimension_semantics<arbitrary>], iteration_bounds = array<i64: 16>, scalar_prefetch = 0 : i64, scratch_operands = 0 : i64, tpu.core_type = #tpu.core_type<tc>, window_params = [{pipeline_mode = #tpu.pipeline_mode<synchronous>, transform_indices = @transform_0, window_bounds = array<i64: 512>}, {pipeline_mode = #tpu.pipeline_mode<synchronous>, transform_indices = @transform_1, window_bounds = array<i64: 512>}, {transform_indices = @transform_2, window_bounds = array<i64: 1, 3, 224, 224>}, {transform_indices = @transform_3, window_bounds = array<i64: 1, 3, 224, 224>}]} {
    %get3A = arith.constant 0 : index
    %get3A_0 = vector.load %arg1[%get3A] : memref<512xf32, #tpu.memory_space<vmem>>, vector<512xf32>
    %reduce_min3A = vector.shape_cast %get3A_0 : vector<512xf32> to vector<1x512xf32>
    %reduce_min3A_1 = arith.constant dense<0x7F800000> : vector<1xf32>
    %reduce_min3A_2 = vector.multi_reduction <minimumf>, %reduce_min3A, %reduce_min3A_1 [1] : vector<1x512xf32> to vector<1xf32>
    %reduce_min3A_3 = vector.shape_cast %reduce_min3A_2 : vector<1xf32> to vector<1x1xf32>
    %reduce_min3A_4 = vector.extract %reduce_min3A_3[0, 0] : f32 from vector<1x1xf32>
    %get3A_5 = arith.constant 0 : index
    %get3A_6 = vector.load %arg2[%get3A_5] : memref<512xf32, #tpu.memory_space<vmem>>, vector<512xf32>
    %reduce_max3A = vector.shape_cast %get3A_6 : vector<512xf32> to vector<1x512xf32>
    %reduce_max3A_7 = arith.constant dense<0xFF800000> : vector<1xf32>
    %reduce_max3A_8 = vector.multi_reduction <maximumf>, %reduce_max3A, %reduce_max3A_7 [1] : vector<1x512xf32> to vector<1xf32>
    %reduce_max3A_9 = vector.shape_cast %reduce_max3A_8 : vector<1xf32> to vector<1x1xf32>
    %reduce_max3A_10 = vector.extract %reduce_max3A_9[0, 0] : f32 from vector<1x1xf32>
    %lt3A = arith.constant 0x7F800000 : f32
    %lt3A_11 = arith.cmpf olt, %reduce_min3A_4, %lt3A : f32
    %jit3A = arith.constant 0.000000e+00 : f32
    %select_n3A = arith.select %lt3A_11, %reduce_min3A_4, %jit3A : f32
    %sub3A = arith.constant 1.000000e+00 : f32
    %sub3A_12 = arith.subf %sub3A, %select_n3A : f32
    %div3A = arith.constant 1.000000e+00 : f32
    %div3A_13 = arith.divf %div3A, %sub3A_12 : f32
    %jit3A_14 = arith.constant 1.000000e+00 : f32
    %select_n3A_15 = arith.select %lt3A_11, %div3A_13, %jit3A_14 : f32
    %sub3A_16 = arith.subf %reduce_max3A_10, %select_n3A : f32
    %ne3A = arith.constant 0.000000e+00 : f32
    %ne3A_17 = arith.cmpf one, %sub3A_16, %ne3A : f32
    %div3A_18 = arith.constant 1.000000e+00 : f32
    %div3A_19 = arith.divf %div3A_18, %sub3A_16 : f32
    %select_n3A_20 = arith.select %ne3A_17, %div3A_19, %select_n3A_15 : f32
    %get3A_21 = arith.constant 0 : index
    %get3A_22 = arith.constant 0 : index
    %get3A_23 = arith.constant 0 : index
    %get3A_24 = arith.constant 0 : index
    %get3A_25 = vector.load %arg3[%get3A_21, %get3A_22, %get3A_23, %get3A_24] : memref<1x3x224x224xf32, #tpu.memory_space<vmem>>, vector<1x3x224x224xf32>
    %sub3A_26 = vector.broadcast %select_n3A : f32 to vector<1x3x224x224xf32>
    %sub3A_27 = arith.subf %get3A_25, %sub3A_26 : vector<1x3x224x224xf32>
    %mul3A = vector.broadcast %select_n3A_20 : f32 to vector<1x3x224x224xf32>
    %mul3A_28 = arith.mulf %sub3A_27, %mul3A : vector<1x3x224x224xf32>
    %mul3A_29 = arith.constant 1.400000e+01 : f32
    %mul3A_30 = vector.broadcast %mul3A_29 : f32 to vector<1x3x224x224xf32>
    %mul3A_31 = arith.mulf %mul3A_28, %mul3A_30 : vector<1x3x224x224xf32>
    %ceil3A = math.ceil %mul3A_31 : vector<1x3x224x224xf32>
    %convert_element_type3A = arith.fptosi %ceil3A : vector<1x3x224x224xf32> to vector<1x3x224x224xi32>
    %add3A = arith.constant 1 : i32
    %add3A_32 = vector.broadcast %add3A : i32 to vector<1x3x224x224xi32>
    %add3A_33 = arith.addi %convert_element_type3A, %add3A_32 : vector<1x3x224x224xi32>
    %lt3A_34 = arith.constant 0.000000e+00 : f32
    %lt3A_35 = vector.broadcast %lt3A_34 : f32 to vector<1x3x224x224xf32>
    %lt3A_36 = arith.cmpf olt, %get3A_25, %lt3A_35 : vector<1x3x224x224xf32>
    %jit3A_37 = arith.constant 0 : i32
    %broadcast_in_dim3A = vector.broadcast %jit3A_37 : i32 to vector<1x3x224x224xi32>
    %select_n3A_38 = arith.select %lt3A_36, %broadcast_in_dim3A, %add3A_33 : vector<1x3x224x224xi1>, vector<1x3x224x224xi32>
    %ge3A = arith.constant 1 : i32
    %ge3A_39 = vector.broadcast %ge3A : i32 to vector<1x3x224x224xi32>
    %ge3A_40 = arith.cmpi sge, %select_n3A_38, %ge3A_39 : vector<1x3x224x224xi32>
    %le3A = arith.constant 15 : i32
    %le3A_41 = vector.broadcast %le3A : i32 to vector<1x3x224x224xi32>
    %le3A_42 = arith.cmpi sle, %select_n3A_38, %le3A_41 : vector<1x3x224x224xi32>
    %and3A = arith.andi %ge3A_40, %le3A_42 : vector<1x3x224x224xi1>
    %sub3A_43 = arith.constant 15 : i32
    %sub3A_44 = vector.broadcast %sub3A_43 : i32 to vector<1x3x224x224xi32>
    %sub3A_45 = arith.subi %sub3A_44, %select_n3A_38 : vector<1x3x224x224xi32>
    %jit3A_46 = arith.constant 0 : i32
    %broadcast_in_dim3A_47 = vector.broadcast %jit3A_46 : i32 to vector<1x3x224x224xi32>
    %select_n3A_48 = arith.select %and3A, %sub3A_45, %broadcast_in_dim3A_47 : vector<1x3x224x224xi1>, vector<1x3x224x224xi32>
    %shift_left3A = arith.constant 1 : i32
    %shift_left3A_49 = vector.broadcast %shift_left3A : i32 to vector<1x3x224x224xi32>
    %shift_left3A_50 = arith.shli %shift_left3A_49, %select_n3A_48 : vector<1x3x224x224xi32>
    %jit3A_51 = arith.constant 0 : i32
    %broadcast_in_dim3A_52 = vector.broadcast %jit3A_51 : i32 to vector<1x3x224x224xi32>
    %select_n3A_53 = arith.select %and3A, %shift_left3A_50, %broadcast_in_dim3A_52 : vector<1x3x224x224xi1>, vector<1x3x224x224xi32>
    %convert_element_type3A_54 = arith.trunci %select_n3A_53 : vector<1x3x224x224xi32> to vector<1x3x224x224xi16>
    %swap3A = arith.constant 0 : index
    %swap3A_55 = arith.constant 0 : index
    %swap3A_56 = arith.constant 0 : index
    %swap3A_57 = arith.constant 0 : index
    %swap3A_58 = vector.load %arg4[%swap3A, %swap3A_55, %swap3A_56, %swap3A_57] : memref<1x3x224x224xi16, #tpu.memory_space<vmem>>, vector<1x3x224x224xi16>
    tpu.vector_store %arg4[%swap3A, %swap3A_55, %swap3A_56, %swap3A_57], %convert_element_type3A_54 {strides = array<i32>} : memref<1x3x224x224xi16, #tpu.memory_space<vmem>>, vector<1x3x224x224xi16>,
    return
  }
  func.func @transform_0(%arg0: i32) -> i32 {
    %c0_i32 = arith.constant 0 : i32
    %c0_i32_0 = arith.constant 0 : i32
    return %c0_i32 : i32
  }
  func.func @transform_1(%arg0: i32) -> i32 {
    %c0_i32 = arith.constant 0 : i32
    %c0_i32_0 = arith.constant 0 : i32
    return %c0_i32 : i32
  }
  func.func @transform_2(%arg0: i32) -> (i32, i32, i32, i32) {
    %c0_i32 = arith.constant 0 : i32
    %c0_i32_0 = arith.constant 0 : i32
    %c0_i32_1 = arith.constant 0 : i32
    %c0_i32_2 = arith.constant 0 : i32
    return %arg0, %c0_i32, %c0_i32_0, %c0_i32_1 : i32, i32, i32, i32
  }
  func.func @transform_3(%arg0: i32) -> (i32, i32, i32, i32) {
    %c0_i32 = arith.constant 0 : i32
    %c0_i32_0 = arith.constant 0 : i32
    %c0_i32_1 = arith.constant 0 : i32
    %c0_i32_2 = arith.constant 0 : i32
    return %arg0, %c0_i32, %c0_i32_0, %c0_i32_1 : i32, i32, i32, i32
  }
}

</mosaic_0001>

<sc_bundles>
// kernel: kernel.4.cloned.1.call-start
scs
__scs_entry_jumppad:
0x0: {  	(pc) =	sbr.rel $0x88, $3  }
0x1: {  	(tag) =	ssettag $0x0;
	lr =	simm.s32 $0x1  }
0x2: {  	[smem:$0x3FA0] =	sst lr;
	_ =	strace $0xD0000000  }
0x3: {  	_ = 	snop  }
0x4: {  	_ = 	snop  }
0x5: {  	_ = 	snop  }
0x6: {  	_ = 	snop  }
0x7: {  	_ = 	snop  }
__scs_overlays_trampoline_lowered:
0x8: {  	[smem:$0x3FAF] =	sst s0  }
0x9: {  	[smem:$0x3FB0] =	sst s1  }
0xa: {  	[smem:$0x3FB1] =	sst s2  }
0xb: {  	[smem:$0x3FB2] =	sst s3  }
0xc: {  	[smem:$0x3FB3] =	sst s4  }
0xd: {  	[smem:$0x3FB4] =	sst s5  }
0xe: {  	[smem:$0x3FB5] =	sst s6  }
0xf: {  	[smem:$0x3FB6] =	sst s7  }
0x10: {  	[smem:$0x3FB7] =	sst s8  }
0x11: {  	[smem:$0x3FB8] =	sst s9;
	s0 =	simm.s32 @!p0 $0x0  }
0x12: {  	s1 =	sld [smem:$0x3F9E];
	s0 =	simm.s32 @p0 $0x1  }
0x13: {  	[smem:$0x3FB9] =	sst s0;
	s0 =	simm.s32 @!p1 $0x0  }
0x14: {  	s2 =	sld [smem:$0x3F9D];
	s0 =	simm.s32 @p1 $0x1  }
0x15: {  	[smem:$0x3FBA] =	sst s0;
	s0 =	simm.s32 @!p2 $0x0  }
0x16: {  	s3 =	sld [smem:$0x3FDB];
	s0 =	simm.s32 @p2 $0x1  }
0x17: {  	s4 =	simm.s32 $0x1BF5;
	[smem:$0x3FBC] =	sst s0  }
0x18: {  	s0 =	sld [smem:$0x3F9F];
	_ =	swait.ge [sflag:s4], $0x0  }
0x19: {  	s7 =	sld [smem:$0x3FA0]  }
0x1a: {  	s8 =	sadd.s32 $0xFFFFE003, lr  }
0x1b: {  	s9 =	sadd.s32 $0xFFFFFEF7, lr;
	s5 =	simm.s32 $0xFFFFFFFF;
	p2 =	slt.u32 s8, $0xFFFFF086  }
0x1c: {  	p1 =	slt.u32 s9, $0xF7A;
	s5 =	simm.s32 @!p2 $0x0  }
0x1d: {  	s5 =	simm.s32 @p1 $0x1;
	p0 =	seq.s32 s7, s2  }
0x1e: {  	s7 =	smul.u32 @!p0 $0xF7A, s2;
	p2 =	seq.s32 @!p0 s5, $0x0  }
0x1f: {  	s9 =	smul.u32 $0xF7A, s1;
	s8 =	simm.s32 @!p0 $0x1BF5;
	p2 =	por !p2, p0  }
0x20: {  	[sflag:s8] =	ssyncset.s32 @!p0 $0xFFFFF086;
	s6 =	sadd.s32 @!p0 s3, s7;
	s7 =	simm.s32 @!p0 $0x108  }
0x21: {  	s3 =	sadd.s32 s3, s9;
	s6 =	sadd.s32 @!p0 $0x88, s6;
	s7 =	simm.s32 @p2 $0x1082  }
0x22: {  	[simem:s7], [sflag:s8] =	dma.local @!p0 [hbm:s6], $0xF7A  }
0x23: {  	s9 =	sor.u32 $0xD0000000, s2;
	s6 =	simm.s32 $0x108;
	_ =	swait.ge @!p0 [sflag:s8], $0x0  }
0x24: {  	s3 =	sadd.s32 $0x88, s3;
	s6 =	simm.s32 @!p1 $0x1082;
	[sflag:s4] =	ssyncset.s32 $0xFFFFF086  }
0x25: {  	[simem:s6], [sflag:s4] =	dma.local [hbm:s3], $0xF7A  }
0x26: {  	[smem:$0x3FA0] =	sst s1;
	(tag) =	ssettag s2;
	_ =	strace s9  }
0x27: {  	s1 =	sld [smem:$0x3FB0]  }
0x28: {  	s2 =	sld [smem:$0x3FB1]  }
0x29: {  	s4 =	sld [smem:$0x3FB3]  }
0x2a: {  	p0 =	seq.s32 s5, $0x0;
	s5 =	sld [smem:$0x3FB4]  }
0x2b: {  	s6 =	sld [smem:$0x3FB5]  }
0x2c: {  	s7 =	sld [smem:$0x3FB6]  }
0x2d: {  	s3 =	simm.s32 $0x108;
	s8 =	sld [smem:$0x3FB7]  }
0x2e: {  	s3 =	simm.s32 @!p0 $0x1082;
	s9 =	sld [smem:$0x3FB8]  }
0x2f: {  	lr =	sadd.s32 s0, s3;
	s0 =	sld [smem:$0x3FAF]  }
0x30: {  	s3 =	sld [smem:$0x3FB2]  }
0x31: {  	[smem:$0x3FBB] =	sst s10  }
0x32: {  	s10 =	sld [smem:$0x3FB9];
	_ =	sdelay $0x3  }
0x33: {  	p0 =	seq.s32 s10, $0x1;
	s10 =	sld [smem:$0x3FBB];
	_ =	sdelay $0x3  }
0x34: {  	[smem:$0x3FBB] =	sst s10  }
0x35: {  	s10 =	sld [smem:$0x3FBA];
	_ =	sdelay $0x3  }
0x36: {  	p1 =	seq.s32 s10, $0x1;
	s10 =	sld [smem:$0x3FBB];
	_ =	sdelay $0x3  }
0x37: {  	[smem:$0x3FBB] =	sst s10  }
0x38: {  	s10 =	sld [smem:$0x3FBC]  }
0x39: {  	_ = 	snop;
	(pc) =	sbr.ind lr, $3  }
0x3a: {  	_ = 	snop  }
0x3b: {  	_ = 	snop  }
0x3c: {  	p2 =	seq.s32 s10, $0x1;
	s10 =	sld [smem:$0x3FBB]  }
0x3d: {  	_ =	shalt  }
0x3e: {  	_ =	shalt  }
0x3f: {  	_ =	shalt  }
0x40: {  	_ =	shalt  }
0x41: {  	_ =	shalt  }
0x42: {  	_ =	shalt  }
0x43: {  	_ =	shalt  }
0x44: {  	_ =	shalt  }
0x45: {  	_ =	shalt  }
0x46: {  	_ =	shalt  }
0x47: {  	_ =	shalt  }
0x48: {  	_ =	shalt  }
0x49: {  	_ =	shalt  }
0x4a: {  	_ =	shalt  }
0x4b: {  	_ =	shalt  }
0x4c: {  	_ =	shalt  }
0x4d: {  	_ =	shalt  }
0x4e: {  	_ =	shalt  }
0x4f: {  	_ =	shalt  }
0x50: {  	_ =	shalt  }
0x51: {  	_ =	shalt  }
0x52: {  	_ =	shalt  }
0x53: {  	_ =	shalt  }
0x54: {  	_ =	shalt  }
0x55: {  	_ =	shalt  }
0x56: {  	_ =	shalt  }
0x57: {  	_ =	shalt  }
0x58: {  	_ =	shalt  }
0x59: {  	_ =	shalt  }
0x5a: {  	_ =	shalt  }
0x5b: {  	_ =	shalt  }
0x5c: {  	_ =	shalt  }
0x5d: {  	_ =	shalt  }
0x5e: {  	_ =	shalt  }
0x5f: {  	_ =	shalt  }
0x60: {  	_ =	shalt  }
0x61: {  	_ =	shalt  }
0x62: {  	_ =	shalt  }
0x63: {  	_ =	shalt  }
0x64: {  	_ =	shalt  }
0x65: {  	_ =	shalt  }
0x66: {  	_ =	shalt  }
0x67: {  	_ =	shalt  }
0x68: {  	_ =	shalt  }
0x69: {  	_ =	shalt  }
0x6a: {  	_ =	shalt  }
0x6b: {  	_ =	shalt  }
0x6c: {  	_ =	shalt  }
0x6d: {  	_ =	shalt  }
0x6e: {  	_ =	shalt  }
0x6f: {  	_ =	shalt  }
0x70: {  	_ =	shalt  }
0x71: {  	_ =	shalt  }
0x72: {  	_ =	shalt  }
0x73: {  	_ =	shalt  }
0x74: {  	_ =	shalt  }
0x75: {  	_ =	shalt  }
0x76: {  	_ =	shalt  }
0x77: {  	_ =	shalt  }
0x78: {  	_ =	shalt  }
0x79: {  	_ =	shalt  }
0x7a: {  	_ =	shalt  }
0x7b: {  	_ =	shalt  }
0x7c: {  	_ =	shalt  }
0x7d: {  	_ =	shalt  }
0x7e: {  	_ =	shalt  }
0x7f: {  	_ =	shalt  }
0x80: {  	_ =	shalt  }
0x81: {  	_ =	shalt  }
0x82: {  	_ =	shalt  }
0x83: {  	_ =	shalt  }
0x84: {  	_ =	shalt  }
0x85: {  	_ =	shalt  }
0x86: {  	_ =	shalt  }
0x87: {  	_ =	shalt  }
.Lfunc_end0:
.L_simem_size_0:
called_computation_lowered:
.L_overlay_start_0:
0x88: {  	s2 =	sld [smem:$0x3FD9]  }
0x89: {  	s3 =	sld [smem:$0x3FFE];
	_ =	sdelay $0x1  }
0x8a: {  	s1 =	srdreg.scid  }
0x8b: {  	s0 =	sand.u32 $0x1, s1  }
0x8c: {  	s17 =	sshll.u32 s0, $0xA;
	s2 =	sadd.s32 s3, s2  }
0x8d: {  	s2 =	sadd.s32 s2, s17  }
0x8e: {  	[smem:$0x3FC7] =	sst s2  }
0x8f: {  	_ = 	snop  }
0x90: {  	s2 =	sld [smem:$0x3FD0];
	(tm) =	ssettm $0x1  }
0x91: {  	s18 =	sld [smem:$0x3FFB];
	_ =	sdelay $0x3  }
0x92: {  	_ =	strace s18  }
0x93: {  	s3 =	sld [smem:$0x3FFC];
	_ =	sdelay $0x3  }
0x94: {  	_ =	strace s3  }
0x95: {  	s3 =	sld [smem:$0x3FFD];
	_ =	sdelay $0x3  }
0x96: {  	_ =	strace s3  }
0x97: {  	_ =	strace $0x8FFFFFFF  }
0x98: {  	s19 =	sld [smem:$0x3FDB];
	_ =	sdelay $0x1  }
0x99: {  	s4 =	simm.s32 $_scs_section_size  }
0x9a: {  	s5 =	simm.s32 $_size__tile_overlayer_lowered;
	s6 =	simm.s32 $_tile_overlayer_lowered  }
0x9b: {  	s22 =	simm.s32 $0x1BFF;
	s21 =	sshll.u32 s6, $0x1;
	s3 =	sadd.s32 s4, s19  }
0x9c: {  	s7 =	simm.s32 $0x0;
	s20 =	sshll.u32 s5, $0x1;
	s5 =	sadd.s32 s21, s3  }
0x9d: {  	[timem:s7], [sflag:s22] =	dma.local [hbm:s5], s20  }
0x9e: {  	_ =	swait.ge [sflag:s22], s20  }
0x9f: {  	s4 =	ssub.s32 $0x0, s20;
	[sflag:s22] =	ssyncset.done $0x0  }
0xa0: {  	[sflag:s22] =	ssyncadd.s32 s4;
	_ =	sdelay $0x1  }
0xa1: {  	s23 =	simm.s32 $0x1B8B  }
0xa2: {  	_ =	swait.ge [sflag:s23], $0x1  }
0xa3: {  	[sflag:s23] =	ssyncset.done $0x0  }
0xa4: {  	s25 =	simm.s32 $0x1B8E;
	s24 =	sld [smem:$0x3FFE];
	[sflag:s23] =	ssyncadd.s32 $0xFFFFFFFF  }
0xa5: {  	s26 =	simm.s32 $execute0_lowered;
	[smem:$0x3FD2] =	sst s25  }
0xa6: {  	s5 =	sshll.u32 s26, $0x1;
	_ =	strace $0x80000046;
	[dreg:$0x1] =	wrdreg $0xFFFFFFFF  }
0xa7: {  	s28 =	simm.s32 $_size_execute0_lowered;
	s3 =	sadd.s32 s3, s5;
	[dreg:$0x0] =	wrdreg $0x0  }
0xa8: {  	s5 =	sshll.u32 s28, $0x1;
	[dreg:$0x2] =	wrdreg s3  }
0xa9: {  	[dreg:$0x3] =	wrdreg s5  }
0xaa: {  	[dreg:$0x4] =	wrdreg $0xC0  }
0xab: {  	_ =	task [dreg:s7], $0x5FFFF  }
0xac: {  	[dreg:$0x1] =	wrdreg $0xFFFFFFFF  }
0xad: {  	[dreg:$0x0] =	wrdreg $0x60  }
0xae: {  	[dreg:$0x2] =	wrdreg s2  }
0xaf: {  	[dreg:$0x3] =	wrdreg s24  }
0xb0: {  	[dreg:$0x4] =	wrdreg $0x9  }
0xb1: {  	_ =	task.clear_ibuf [dreg:s7], $0x5FFFF;
	_ =	strace $0x90000046  }
0xb2: {  	s29 =	simm.s32 $0x9;
	_ =	strace $0x80000048  }
0xb3: {  	_ =	swait.ge [sflag:s29], $0x1  }
0xb4: {  	[sflag:s29] =	ssyncadd.s32 $0xFFFFFFFF  }
0xb5: {  	_ =	strace $0x90000048  }
0xb6: {  	_ =	sfence  }
0xb7: {  	s30 =	sld [smem:$0x0];
	_ =	sdelay $0x2  }
0xb8: {  	s31 =	sshll.u32 s1, $0xD;
	s1 =	sshrl.u32 s1, $0x2  }
0xb9: {  	s3 =	sand.u32 $0x4000, s31;
	s1 =	sadd.s32 s1, s30  }
0xba: {  	s0 =	sor.u32 s3, s0;
	s1 =	sshll.u32 s1, $0x11  }
0xbb: {  	s0 =	sor.u32 s1, s0  }
0xbc: {  	s0 =	sadd.s32 $0x8F2B, s0  }
0xbd: {  	[sflag:s0] =	ssyncadd.remote.s32 $0x1  }
0xbe: {  	_ =	sfence.sel $0xFFFF  }
0xbf: {  	[dreg:$0x0] =	wrdreg $0xFFFFFFFF;
	(pc) =	sbr.abs _section_cstart, $3  }
0xc0: {  	[dreg:$0x1] =	wrdreg $0xFFFFFFFF  }
0xc1: {  	_ =	task.clear_ibuf [dreg:s7], $0x2FFFF;
	_ =	strace $0x9FFFFFFF  }
0xc2: {  	(tm) =	ssettm $0x7FFFFFFF  }
0xc3: {  	_ =	shalt  }
tec
execute0_lowered:
.L_overlay_start_1:
0x0: {  	(tag) =	ssettag $0x1  }
0x1: {  	s3 =	rddreg [dreg:$0x0]  }
0x2: {  	s4 =	rddreg [dreg:$0x1]  }
0x3: {  	s0 =	rddreg [dreg:$0x2];
	s5 =	srdreg.scid  }
0x4: {  	s1 =	stileid.u32;
	s2 =	simm.s32 $0x0;
	s9 =	simm.s32 $0x12680  }
0x5: {  	s10 =	simm.s32 $0x0;
	s5 =	sand.u32 $0x1, s5;
	s6 =	sshll.u32 s1, $0x1  }
0x6: {  	[smem:$0x7FF] =	sst s2;
	s6 =	sor.u32 s5, s6;
	s5 =	ssub.s32 $0x2, s5  }
0x7: {  	s7 =	sshll.u32 s6, $0x1;
	s6 =	smul.u32 $0x24C0, s6;
	s31 =	sshrl.u32 s5, $0x1  }
0x8: {  	_ =	strace $0x80000047;
	s7 =	sadd.s32 s7, s4;
	s8 =	ssub.s32 s5, s31  }
0x9: {  	s3 =	sadd.s32 s3, s6;
	s4 =	sadd.s32 $0x1800, s7;
	s5 =	sadd.s32 $0x1A00, s7  }
0xa: {  	s6 =	smax.u32 s8, $0x1;
	s7 =	simm.s32 $0x1;
	s8 =	simm.s32 $0x12600  }
.LBB2_1:
0xb: {  	[tilespmem:s2], [sflag:$0x1] =	stream.linear.gather [hbm4b:s3+s2], $0x12600, $0x38;
	[tilespmem:$0x12700] =	vst v63  }
0xc: {  	_ =	swait.ge [sflag:s7], $0x12600  }
0xd: {  	[sflag:s7] =	ssyncset.done $0x0  }
0xe: {  	s12 =	simm.s32 $0x0;
	[sflag:s7] =	ssyncadd.s32 $0xFFFEDA00  }
0xf: {  	v0 =	vimm.f32 $+Inf;
	v1 =	vimm.f32 $-Inf;
	s11 =	simm.s32 $0x40;
	v2 =	vld [tilespmem:s12+$0x0]  }
.LBB2_2:
0x10: {  	p0 =	sne.s32 s11, $0x497C0  }
.Ltmp0:
0x11: {  	_ = 	snop;
	(pc) =	sbr.rel @p0 .LBB2_2-.Ltmp0, $3  }
0x12: {  	_ =	sdelay $0x1  }
0x13: {  	s12 =	sshra.s32 s11, $0x2;
	s11 =	sadd.s32 $0x40, s11;
	vm0 =	vlt.f32 v2, $0.0e+00;
	v3 =	vmin.f32 v0, v2;
	v1 =	vmax.f32 v1, v2  }
0x14: {  	v2 =	vld [tilespmem:s12+$0x0];
	v0 =	vsel vm0, v0, v3  }
0x15: {  	_ =	sdelay $0x3  }
0x16: {  	vm0 =	vlt.f32 v2, $0.0e+00;
	v3 =	vmin.f32 v0, v2;
	v1 =	vmax.f32 v1, v2  }
0x17: {  	v0 =	vsel vm0, v0, v3;
	[tilespmem:$0x12680] =	vst v1  }
0x18: {  	[tilespmem:$0x12600] =	vst v0  }
0x19: {  	[hbm4b:s4+s2] =	stream.linear.scatter [tilespmem:s8], [sflag:$0x1], $0x10, $0x38;
	[tilespmem:$0x12700] =	vst v63  }
0x1a: {  	s10 =	sadd.s32 $0x1, s10;
	_ =	swait.ge [sflag:s7], $0x10  }
0x1b: {  	p0 =	sne.s32 s10, s6;
	[sflag:s7] =	ssyncset.done $0x0  }
.Ltmp1:
0x1c: {  	[sflag:s7] =	ssyncadd.s32 $0xFFFFFFF0;
	(pc) =	sbr.rel @p0 .LBB2_1-.Ltmp1, $4  }
0x1d: {  	[hbm4b:s5+s2] =	stream.linear.scatter [tilespmem:s9], [sflag:$0x1], $0x10, $0x38;
	[tilespmem:$0x12700] =	vst v63  }
0x1e: {  	_ =	swait.ge [sflag:s7], $0x10  }
0x1f: {  	[sflag:s7] =	ssyncset.done $0x0  }
0x20: {  	[sflag:s7] =	ssyncadd.s32 $0xFFFFFFF0  }
0x21: {  	_ =	sfence.sel $0x180000  }
0x22: {  	[bflag:$0x0] =	sbarrier.arrive $0xFFFF  }
0x23: {  	p0 =	sne.s32 s1, $0x0;
	_ =	strace $0x90000047  }
0x24: {  	s0 =	sadd.s32 @!p0 $0x100000, s0;
	[bflag:$0x2] =	sbarrier.arrive $0xFFFF  }
0x25: {  	[sflag:s0] =	ssyncadd.tile.s32 @!p0 $0x1;
	_ =	shalt  }
.Lfunc_end2:
_tile_overlayer_lowered:
.L_overlay_start_2:
0x26: {  	(tag) =	ssettag $0x2  }
0x27: {  	s0 =	rddreg [dreg:$0x0];
	s2 =	stileid.u32  }
0x28: {  	s1 =	rddreg [dreg:$0x1];
	p0 =	sne.s32 s2, $0x0  }
0x29: {  	s3 =	rddreg [dreg:$0x2];
	[bflag:$0x3] =	sbarrier.arrive $0xFFFF;
	s2 =	simm.s32 @!p0 $0x1C01  }
0x2a: {  	[timem:s3], [sflag:s2] =	dma.local @!p0 [hbm:s0], s1  }
0x2b: {  	s0 =	simm.s32 @!p0 $0x1  }
0x2c: {  	_ =	swait.ge @!p0 [sflag:s0], s1  }
0x2d: {  	s1 =	ssub.s32 @!p0 $0x0, s1;
	[sflag:s0] =	ssyncset.done @!p0 $0x0  }
0x2e: {  	[sflag:s0] =	ssyncadd.s32 @!p0 s1  }
0x2f: {  	[bflag:$0x3] =	sbarrier.arrive $0xFFFF  }
0x30: {  	_ =	shalt  }

</sc_bundles>
